<compile_context>
chip_gen: v7x
topology: tpu7x:2x2x1
jax: 0.10.2.dev20260603
libtpu: 0.0.44.dev20260713+nightly
codegen_flags: <defaults>
</compile_context>

<pallas_src>
import functools

import jax
import jax.numpy as jnp
from jax import lax
from jax.experimental import pallas as pl
from jax.experimental.pallas import tpu as pltpu
from jax.experimental.pallas import tpu_sc as plsc

B, K, N = 8, 4, 10
BATCHES = B * K
C, H, W = 384, 32, 32
NBOX = B * K * N
NW = 32
BOX_PER_W = NBOX // NW
HW = H * W


def _body(input_hbm, bboxes_hbm, out_hbm, bb_v, idx_v, rows_v, sem):
    table_hbm = input_hbm.reshape(BATCHES * HW, C)
    wid = lax.axis_index("s") * 2 + lax.axis_index("c")

    pltpu.sync_copy(bboxes_hbm, bb_v)

    lane = lax.broadcasted_iota(jnp.int32, (16,), 0)
    box = jnp.minimum(wid * BOX_PER_W + lane, NBOX - 1)

    def field(f):
        p = box * 4 + f
        return plsc.load_gather(bb_v, [p >> 4, p & 15])

    x0, y0, bw, bh = field(0), field(1), field(2), field(3)
    cx = (x0 + (bw >> 1)) >> 4
    cy = (y0 + (bh >> 1)) >> 4
    idx_v[pl.ds(0, 16)] = wid * HW + cy * W + cx

    pltpu.async_copy(
        table_hbm.at[idx_v.at[pl.ds(0, 16)]], rows_v, sem)
    pltpu.make_async_copy(
        table_hbm.at[pl.ds(0, 16)], rows_v, sem).wait()

    pltpu.sync_copy(rows_v, out_hbm.at[wid])


@jax.jit
def _center_pool(input, bboxes):
    mesh = plsc.VectorSubcoreMesh(core_axis_name="c", subcore_axis_name="s")
    run = functools.partial(
        pl.kernel,
        mesh=mesh,
        out_type=jax.ShapeDtypeStruct((NW, 16, C), jnp.float32),
        scratch_types=[
            pltpu.VMEM((NBOX * 4 // 16, 16), jnp.int32),
            pltpu.VMEM((16,), jnp.int32),
            pltpu.VMEM((16, C), jnp.float32),
            pltpu.SemaphoreType.DMA,
        ],
        compiler_params=pltpu.CompilerParams(
            needs_layout_passes=False, use_tc_tiling_on_sc=True
        ),
    )(_body)
    input_t = jnp.transpose(input, (0, 2, 3, 1))
    out = run(input_t, bboxes.reshape(NBOX * 4 // 16, 16))
    return out[:, :BOX_PER_W, :].reshape(B, K * N, C)


def kernel(input, bboxes):
    return _center_pool(input, bboxes)

# --- scband reference (transcript-rebuilt; emitter-appended) ---
"""Pipeline reference for scband-center-pool-11690900980451 (READ-ONLY COPY).

The authoritative reference and input builder live on the scoring server;
editing this copy changes nothing except your own understanding.
"""

import jax, jax.numpy as jnp
import numpy as np

ORIG_W, ORIG_H = 512, 512  # original_shape[-2:]


def setup_inputs(seed: int = 0) -> dict:
    key = jax.random.key(seed)
    k1, k2 = jax.random.split(key)
    inp = jax.random.normal(k1, (32, 384, 32, 32), dtype=jnp.float32)
    bboxes = jax.random.randint(k2, (8, 4, 10, 4), 0, 256, dtype=jnp.int32)
    return {"input": inp, "bboxes": bboxes}


def reference(input, bboxes):
    # orig_w, orig_h = original_shape[-2:]
    orig_w, orig_h = ORIG_W, ORIG_H
    # fm_w, fm_h = input.shape[-2:]  (note: code names dim -2 'fm_w' and dim -1 'fm_h')
    fm_w, fm_h = input.shape[-2], input.shape[-1]
    cell_w = orig_w / fm_w
    cell_h = orig_h / fm_h
    B, K, N, _ = bboxes.shape
    # img_x = bbox[0] + bbox[2] // 2 ; img_y = bbox[1] + bbox[3] // 2
    img_x = bboxes[..., 0] + bboxes[..., 2] // 2
    img_y = bboxes[..., 1] + bboxes[..., 3] // 2
    # int(img / cell) -> truncation; coords are non-negative so floor == trunc
    cell_x = jnp.floor(img_x.astype(jnp.float32) / cell_w).astype(jnp.int32)
    cell_y = jnp.floor(img_y.astype(jnp.float32) / cell_h).astype(jnp.int32)
    # batch index i * k_shot + j for each box
    bidx = jnp.broadcast_to(jnp.arange(B * K, dtype=jnp.int32).reshape(B, K)[:, :, None], (B, K, N))
    # gather: input[i*k_shot+j, :, cell_y, cell_x] -> feature vector of length C
    feats = input[bidx.reshape(-1), :, cell_y.reshape(-1), cell_x.reshape(-1)]
    # original returns list-of-lists of [C] vectors; stack to [B, K*N, C]
    return feats.reshape(B, K * N, -1)

if __name__ == "__main__":
    import jax
    _d = setup_inputs()
    print(jax.jit(kernel)(*tuple(_d.values())))

</pallas_src>

<mosaic_0001>
#map = affine_map<(d0, d1) -> (0, 0, 0, 0)>
#map1 = affine_map<(d0, d1) -> (0, 0)>
#map2 = affine_map<(d0, d1) -> (0, 0, 0)>
module attributes {stable_mosaic.version = 14 : i64} {
  func.func @_body(%arg0: i32, %arg1: i32, %arg2: memref<32x32x32x384xf32, #tpu.memory_space<hbm>>, %arg3: memref<80x16xi32, #tpu.memory_space<hbm>>, %arg4: memref<32x16x384xf32, #tpu.memory_space<hbm>>, %arg5: memref<80x16xi32, #tpu.memory_space<vmem>>, %arg6: memref<16xi32, #tpu.memory_space<vmem>>, %arg7: memref<16x384xf32, #tpu.memory_space<vmem>>, %arg8: memref<!tpu.dma_semaphore, #tpu.memory_space<semaphore_mem>>) attributes {dimension_semantics = [#tpu.dimension_semantics<core_parallel>, #tpu.dimension_semantics<subcore_parallel>], iteration_bounds = array<i64: 2, 16>, scalar_prefetch = 0 : i64, scratch_operands = 4 : i64, tpu.core_type = #tpu.core_type<sc_vector_subcore>, window_params = [{transform_indices = #map}, {transform_indices = #map1}, {transform_indices = #map2}]} {
    %mul3A = arith.constant 2 : i32
    %mul3A_0 = arith.muli %arg1, %mul3A : i32
    %add3A = arith.addi %mul3A_0, %arg0 : i32
    "tpu.region"() ({
      %run_scoped3A = tpu.sem_alloc : memref<!tpu.dma_semaphore, #tpu.memory_space<semaphore_mem>>
      tpu.enqueue_dma source(%arg3 : memref<80x16xi32, #tpu.memory_space<hbm>>) target(%arg5 : memref<80x16xi32, #tpu.memory_space<vmem>>) target_semaphore(%run_scoped3A : memref<!tpu.dma_semaphore, #tpu.memory_space<semaphore_mem>>)
      tpu.wait_dma2 semaphore(%run_scoped3A : memref<!tpu.dma_semaphore, #tpu.memory_space<semaphore_mem>>) src(%arg3 : memref<80x16xi32, #tpu.memory_space<hbm>>) dst(%arg5 : memref<80x16xi32, #tpu.memory_space<vmem>>)
      tpu.yield
    }) : () -> ()
    %iota3A = tpu.iota {dimensions = array<i32: 0>} : vector<16xi32>
    %mul3A_1 = arith.constant 10 : i32
    %mul3A_2 = arith.muli %add3A, %mul3A_1 : i32
    %add3A_3 = vector.broadcast %mul3A_2 : i32 to vector<16xi32>
    %add3A_4 = arith.addi %add3A_3, %iota3A : vector<16xi32>
    %min3A = arith.constant 319 : i32
    %min3A_5 = vector.broadcast %min3A : i32 to vector<16xi32>
    %min3A_6 = arith.minsi %add3A_4, %min3A_5 : vector<16xi32>
    %mul3A_7 = arith.constant 4 : i32
    %mul3A_8 = vector.broadcast %mul3A_7 : i32 to vector<16xi32>
    %mul3A_9 = arith.muli %min3A_6, %mul3A_8 : vector<16xi32>
    %add3A_10 = arith.constant 0 : i32
    %add3A_11 = vector.broadcast %add3A_10 : i32 to vector<16xi32>
    %add3A_12 = arith.addi %mul3A_9, %add3A_11 : vector<16xi32>
    %shift_right_arithmetic3A = arith.constant 4 : i32
    %shift_right_arithmetic3A_13 = vector.broadcast %shift_right_arithmetic3A : i32 to vector<16xi32>
    %shift_right_arithmetic3A_14 = arith.shrsi %add3A_12, %shift_right_arithmetic3A_13 : vector<16xi32>
    %and3A = arith.constant 15 : i32
    %and3A_15 = vector.broadcast %and3A : i32 to vector<16xi32>
    %and3A_16 = arith.andi %add3A_12, %and3A_15 : vector<16xi32>
    %gather3A = tpu.vector_load_idx %arg5[%shift_right_arithmetic3A_14, %and3A_16] : memref<80x16xi32, #tpu.memory_space<vmem>>[vector<16xi32>, vector<16xi32>], vector<16xi32>,
    %mul3A_17 = arith.constant 4 : i32
    %mul3A_18 = vector.broadcast %mul3A_17 : i32 to vector<16xi32>
    %mul3A_19 = arith.muli %min3A_6, %mul3A_18 : vector<16xi32>
    %add3A_20 = arith.constant 1 : i32
    %add3A_21 = vector.broadcast %add3A_20 : i32 to vector<16xi32>
    %add3A_22 = arith.addi %mul3A_19, %add3A_21 : vector<16xi32>
    %shift_right_arithmetic3A_23 = arith.constant 4 : i32
    %shift_right_arithmetic3A_24 = vector.broadcast %shift_right_arithmetic3A_23 : i32 to vector<16xi32>
    %shift_right_arithmetic3A_25 = arith.shrsi %add3A_22, %shift_right_arithmetic3A_24 : vector<16xi32>
    %and3A_26 = arith.constant 15 : i32
    %and3A_27 = vector.broadcast %and3A_26 : i32 to vector<16xi32>
    %and3A_28 = arith.andi %add3A_22, %and3A_27 : vector<16xi32>
    %gather3A_29 = tpu.vector_load_idx %arg5[%shift_right_arithmetic3A_25, %and3A_28] : memref<80x16xi32, #tpu.memory_space<vmem>>[vector<16xi32>, vector<16xi32>], vector<16xi32>,
    %mul3A_30 = arith.constant 4 : i32
    %mul3A_31 = vector.broadcast %mul3A_30 : i32 to vector<16xi32>
    %mul3A_32 = arith.muli %min3A_6, %mul3A_31 : vector<16xi32>
    %add3A_33 = arith.constant 2 : i32
    %add3A_34 = vector.broadcast %add3A_33 : i32 to vector<16xi32>
    %add3A_35 = arith.addi %mul3A_32, %add3A_34 : vector<16xi32>
    %shift_right_arithmetic3A_36 = arith.constant 4 : i32
    %shift_right_arithmetic3A_37 = vector.broadcast %shift_right_arithmetic3A_36 : i32 to vector<16xi32>
    %shift_right_arithmetic3A_38 = arith.shrsi %add3A_35, %shift_right_arithmetic3A_37 : vector<16xi32>
    %and3A_39 = arith.constant 15 : i32
    %and3A_40 = vector.broadcast %and3A_39 : i32 to vector<16xi32>
    %and3A_41 = arith.andi %add3A_35, %and3A_40 : vector<16xi32>
    %gather3A_42 = tpu.vector_load_idx %arg5[%shift_right_arithmetic3A_38, %and3A_41] : memref<80x16xi32, #tpu.memory_space<vmem>>[vector<16xi32>, vector<16xi32>], vector<16xi32>,
    %mul3A_43 = arith.constant 4 : i32
    %mul3A_44 = vector.broadcast %mul3A_43 : i32 to vector<16xi32>
    %mul3A_45 = arith.muli %min3A_6, %mul3A_44 : vector<16xi32>
    %add3A_46 = arith.constant 3 : i32
    %add3A_47 = vector.broadcast %add3A_46 : i32 to vector<16xi32>
    %add3A_48 = arith.addi %mul3A_45, %add3A_47 : vector<16xi32>
    %shift_right_arithmetic3A_49 = arith.constant 4 : i32
    %shift_right_arithmetic3A_50 = vector.broadcast %shift_right_arithmetic3A_49 : i32 to vector<16xi32>
    %shift_right_arithmetic3A_51 = arith.shrsi %add3A_48, %shift_right_arithmetic3A_50 : vector<16xi32>
    %and3A_52 = arith.constant 15 : i32
    %and3A_53 = vector.broadcast %and3A_52 : i32 to vector<16xi32>
    %and3A_54 = arith.andi %add3A_48, %and3A_53 : vector<16xi32>
    %gather3A_55 = tpu.vector_load_idx %arg5[%shift_right_arithmetic3A_51, %and3A_54] : memref<80x16xi32, #tpu.memory_space<vmem>>[vector<16xi32>, vector<16xi32>], vector<16xi32>,
    %shift_right_arithmetic3A_56 = arith.constant 1 : i32
    %shift_right_arithmetic3A_57 = vector.broadcast %shift_right_arithmetic3A_56 : i32 to vector<16xi32>
    %shift_right_arithmetic3A_58 = arith.shrsi %gather3A_42, %shift_right_arithmetic3A_57 : vector<16xi32>
    %add3A_59 = arith.addi %gather3A, %shift_right_arithmetic3A_58 : vector<16xi32>
    %shift_right_arithmetic3A_60 = arith.constant 4 : i32
    %shift_right_arithmetic3A_61 = vector.broadcast %shift_right_arithmetic3A_60 : i32 to vector<16xi32>
    %shift_right_arithmetic3A_62 = arith.shrsi %add3A_59, %shift_right_arithmetic3A_61 : vector<16xi32>
    %shift_right_arithmetic3A_63 = arith.constant 1 : i32
    %shift_right_arithmetic3A_64 = vector.broadcast %shift_right_arithmetic3A_63 : i32 to vector<16xi32>
    %shift_right_arithmetic3A_65 = arith.shrsi %gather3A_55, %shift_right_arithmetic3A_64 : vector<16xi32>
    %add3A_66 = arith.addi %gather3A_29, %shift_right_arithmetic3A_65 : vector<16xi32>
    %shift_right_arithmetic3A_67 = arith.constant 4 : i32
    %shift_right_arithmetic3A_68 = vector.broadcast %shift_right_arithmetic3A_67 : i32 to vector<16xi32>
    %shift_right_arithmetic3A_69 = arith.shrsi %add3A_66, %shift_right_arithmetic3A_68 : vector<16xi32>
    %mul3A_70 = arith.constant 1024 : i32
    %mul3A_71 = arith.muli %add3A, %mul3A_70 : i32
    %mul3A_72 = arith.constant 32 : i32
    %mul3A_73 = vector.broadcast %mul3A_72 : i32 to vector<16xi32>
    %mul3A_74 = arith.muli %shift_right_arithmetic3A_69, %mul3A_73 : vector<16xi32>
    %add3A_75 = vector.broadcast %mul3A_71 : i32 to vector<16xi32>
    %add3A_76 = arith.addi %add3A_75, %mul3A_74 : vector<16xi32>
    %add3A_77 = arith.addi %add3A_76, %shift_right_arithmetic3A_62 : vector<16xi32>
    %swap3A = arith.constant 0 : index
    %swap3A_78 = tpu.vector_load %arg6[%swap3A] {strides = array<i32>} : memref<16xi32, #tpu.memory_space<vmem>>, vector<16xi32>,
    tpu.vector_store %arg6[%swap3A], %add3A_77 {strides = array<i32>} : memref<16xi32, #tpu.memory_space<vmem>>, vector<16xi32>,
    %dma_start3A = arith.constant 0 : i32
    %dma_start3A_79 = tpu.memref_slice %arg6[%dma_start3A] : memref<16xi32, #tpu.memory_space<vmem>> -> memref<16xi32, #tpu.memory_space<vmem>>
    %dma_start3A_80 = tpu.memref_reshape %arg2 : memref<32x32x32x384xf32, #tpu.memory_space<hbm>> -> memref<32768x384xf32, #tpu.memory_space<hbm>>
    %dma_start3A_81 = arith.constant 0 : i32
    %dma_start3A_82 = arith.constant 0 : i32
    %dma_start3A_83 = tpu.memref_slice %dma_start3A_80[%dma_start3A_81, %dma_start3A_82] : memref<32768x384xf32, #tpu.memory_space<hbm>> -> memref<32768x384xf32, #tpu.memory_space<hbm>>
    tpu.enqueue_indirect_dma source(%dma_start3A_83 : memref<32768x384xf32, #tpu.memory_space<hbm>>) target(%arg7 : memref<16x384xf32, #tpu.memory_space<vmem>>) offsets(%dma_start3A_79 : memref<16xi32, #tpu.memory_space<vmem>>) semaphore(%arg8 : memref<!tpu.dma_semaphore, #tpu.memory_space<semaphore_mem>>)
    %dma_wait3A = tpu.memref_reshape %arg2 : memref<32x32x32x384xf32, #tpu.memory_space<hbm>> -> memref<32768x384xf32, #tpu.memory_space<hbm>>
    %dma_wait3A_84 = arith.constant 0 : i32
    %dma_wait3A_85 = arith.constant 0 : i32
    %dma_wait3A_86 = tpu.memref_slice %dma_wait3A[%dma_wait3A_84, %dma_wait3A_85] : memref<32768x384xf32, #tpu.memory_space<hbm>> -> memref<16x384xf32, #tpu.memory_space<hbm>>
    %dma_wait3A_87 = tpu.memref_reshape %arg2 : memref<32x32x32x384xf32, #tpu.memory_space<hbm>> -> memref<32768x384xf32, #tpu.memory_space<hbm>>
    %dma_wait3A_88 = arith.constant 0 : i32
    %dma_wait3A_89 = arith.constant 0 : i32
    %dma_wait3A_90 = tpu.memref_slice %dma_wait3A_87[%dma_wait3A_88, %dma_wait3A_89] : memref<32768x384xf32, #tpu.memory_space<hbm>> -> memref<16x384xf32, #tpu.memory_space<hbm>>
    tpu.wait_dma2 semaphore(%arg8 : memref<!tpu.dma_semaphore, #tpu.memory_space<semaphore_mem>>) src(%dma_wait3A_90 : memref<16x384xf32, #tpu.memory_space<hbm>>) dst(%arg7 : memref<16x384xf32, #tpu.memory_space<vmem>>)
    "tpu.region"() ({
      %run_scoped3A = tpu.sem_alloc : memref<!tpu.dma_semaphore, #tpu.memory_space<semaphore_mem>>
      %dma_start3A_91 = arith.constant 0 : i32
      %dma_start3A_92 = arith.constant 0 : i32
      %dma_start3A_93 = tpu.memref_slice %arg4[%add3A, %dma_start3A_91, %dma_start3A_92] : memref<32x16x384xf32, #tpu.memory_space<hbm>> -> memref<1x16x384xf32, #tpu.memory_space<hbm>>
      %dma_start3A_94 = tpu.memref_squeeze %dma_start3A_93 : memref<1x16x384xf32, #tpu.memory_space<hbm>> -> memref<16x384xf32, #tpu.memory_space<hbm>>
      %dma_start3A_95 = arith.constant 0 : i32
      %dma_start3A_96 = arith.constant 0 : i32
      %dma_start3A_97 = tpu.memref_slice %arg4[%add3A, %dma_start3A_95, %dma_start3A_96] : memref<32x16x384xf32, #tpu.memory_space<hbm>> -> memref<1x16x384xf32, #tpu.memory_space<hbm>>
      %dma_start3A_98 = tpu.memref_squeeze %dma_start3A_97 : memref<1x16x384xf32, #tpu.memory_space<hbm>> -> memref<16x384xf32, #tpu.memory_space<hbm>>
      tpu.enqueue_dma source(%arg7 : memref<16x384xf32, #tpu.memory_space<vmem>>) target(%dma_start3A_98 : memref<16x384xf32, #tpu.memory_space<hbm>>) target_semaphore(%run_scoped3A : memref<!tpu.dma_semaphore, #tpu.memory_space<semaphore_mem>>)
      %dma_wait3A_99 = arith.constant 0 : i32
      %dma_wait3A_100 = arith.constant 0 : i32
      %dma_wait3A_101 = tpu.memref_slice %arg4[%add3A, %dma_wait3A_99, %dma_wait3A_100] : memref<32x16x384xf32, #tpu.memory_space<hbm>> -> memref<1x16x384xf32, #tpu.memory_space<hbm>>
      %dma_wait3A_102 = tpu.memref_squeeze %dma_wait3A_101 : memref<1x16x384xf32, #tpu.memory_space<hbm>> -> memref<16x384xf32, #tpu.memory_space<hbm>>
      %dma_wait3A_103 = arith.constant 0 : i32
      %dma_wait3A_104 = arith.constant 0 : i32
      %dma_wait3A_105 = tpu.memref_slice %arg4[%add3A, %dma_wait3A_103, %dma_wait3A_104] : memref<32x16x384xf32, #tpu.memory_space<hbm>> -> memref<1x16x384xf32, #tpu.memory_space<hbm>>
      %dma_wait3A_106 = tpu.memref_squeeze %dma_wait3A_105 : memref<1x16x384xf32, #tpu.memory_space<hbm>> -> memref<16x384xf32, #tpu.memory_space<hbm>>
      tpu.wait_dma2 semaphore(%run_scoped3A : memref<!tpu.dma_semaphore, #tpu.memory_space<semaphore_mem>>) src(%arg7 : memref<16x384xf32, #tpu.memory_space<vmem>>) dst(%dma_wait3A_106 : memref<16x384xf32, #tpu.memory_space<hbm>>)
      tpu.yield
    }) : () -> ()
    return
  }
}

</mosaic_0001>

<sc_bundles>
// kernel: _center_pool.3.cloned.1.call-start
scs
__scs_entry_jumppad:
0x0: {  	(pc) =	sbr.rel $0x88, $3  }
0x1: {  	(tag) =	ssettag $0x0;
	lr =	simm.s32 $0x1  }
0x2: {  	[smem:$0x3F9F] =	sst lr;
	_ =	strace $0xD0000000  }
0x3: {  	_ = 	snop  }
0x4: {  	_ = 	snop  }
0x5: {  	_ = 	snop  }
0x6: {  	_ = 	snop  }
0x7: {  	_ = 	snop  }
__scs_overlays_trampoline_lowered:
0x8: {  	[smem:$0x3FAE] =	sst s0  }
0x9: {  	[smem:$0x3FAF] =	sst s1  }
0xa: {  	[smem:$0x3FB0] =	sst s2  }
0xb: {  	[smem:$0x3FB1] =	sst s3  }
0xc: {  	[smem:$0x3FB2] =	sst s4  }
0xd: {  	[smem:$0x3FB3] =	sst s5  }
0xe: {  	[smem:$0x3FB4] =	sst s6  }
0xf: {  	[smem:$0x3FB5] =	sst s7  }
0x10: {  	[smem:$0x3FB6] =	sst s8  }
0x11: {  	[smem:$0x3FB7] =	sst s9;
	s0 =	simm.s32 @!p0 $0x0  }
0x12: {  	s1 =	sld [smem:$0x3F9D];
	s0 =	simm.s32 @p0 $0x1  }
0x13: {  	[smem:$0x3FB8] =	sst s0;
	s0 =	simm.s32 @!p1 $0x0  }
0x14: {  	s2 =	sld [smem:$0x3F9C];
	s0 =	simm.s32 @p1 $0x1  }
0x15: {  	[smem:$0x3FB9] =	sst s0;
	s0 =	simm.s32 @!p2 $0x0  }
0x16: {  	s3 =	sld [smem:$0x3FDB];
	s0 =	simm.s32 @p2 $0x1  }
0x17: {  	s4 =	simm.s32 $0x1BF5;
	[smem:$0x3FBB] =	sst s0  }
0x18: {  	s0 =	sld [smem:$0x3F9E];
	_ =	swait.ge [sflag:s4], $0x0  }
0x19: {  	s7 =	sld [smem:$0x3F9F]  }
0x1a: {  	s8 =	sadd.s32 $0xFFFFE003, lr  }
0x1b: {  	s9 =	sadd.s32 $0xFFFFFEF7, lr;
	s5 =	simm.s32 $0xFFFFFFFF;
	p2 =	slt.u32 s8, $0xFFFFF086  }
0x1c: {  	p1 =	slt.u32 s9, $0xF7A;
	s5 =	simm.s32 @!p2 $0x0  }
0x1d: {  	s5 =	simm.s32 @p1 $0x1;
	p0 =	seq.s32 s7, s2  }
0x1e: {  	s7 =	smul.u32 @!p0 $0xF7A, s2;
	p2 =	seq.s32 @!p0 s5, $0x0  }
0x1f: {  	s9 =	smul.u32 $0xF7A, s1;
	s8 =	simm.s32 @!p0 $0x1BF5;
	p2 =	por !p2, p0  }
0x20: {  	[sflag:s8] =	ssyncset.s32 @!p0 $0xFFFFF086;
	s6 =	sadd.s32 @!p0 s3, s7;
	s7 =	simm.s32 @!p0 $0x108  }
0x21: {  	s3 =	sadd.s32 s3, s9;
	s6 =	sadd.s32 @!p0 $0x88, s6;
	s7 =	simm.s32 @p2 $0x1082  }
0x22: {  	[simem:s7], [sflag:s8] =	dma.local @!p0 [hbm:s6], $0xF7A  }
0x23: {  	s9 =	sor.u32 $0xD0000000, s2;
	s6 =	simm.s32 $0x108;
	_ =	swait.ge @!p0 [sflag:s8], $0x0  }
0x24: {  	s3 =	sadd.s32 $0x88, s3;
	s6 =	simm.s32 @!p1 $0x1082;
	[sflag:s4] =	ssyncset.s32 $0xFFFFF086  }
0x25: {  	[simem:s6], [sflag:s4] =	dma.local [hbm:s3], $0xF7A  }
0x26: {  	[smem:$0x3F9F] =	sst s1;
	(tag) =	ssettag s2;
	_ =	strace s9  }
0x27: {  	s1 =	sld [smem:$0x3FAF]  }
0x28: {  	s2 =	sld [smem:$0x3FB0]  }
0x29: {  	s4 =	sld [smem:$0x3FB2]  }
0x2a: {  	p0 =	seq.s32 s5, $0x0;
	s5 =	sld [smem:$0x3FB3]  }
0x2b: {  	s6 =	sld [smem:$0x3FB4]  }
0x2c: {  	s7 =	sld [smem:$0x3FB5]  }
0x2d: {  	s3 =	simm.s32 $0x108;
	s8 =	sld [smem:$0x3FB6]  }
0x2e: {  	s3 =	simm.s32 @!p0 $0x1082;
	s9 =	sld [smem:$0x3FB7]  }
0x2f: {  	lr =	sadd.s32 s0, s3;
	s0 =	sld [smem:$0x3FAE]  }
0x30: {  	s3 =	sld [smem:$0x3FB1]  }
0x31: {  	[smem:$0x3FBA] =	sst s10  }
0x32: {  	s10 =	sld [smem:$0x3FB8];
	_ =	sdelay $0x3  }
0x33: {  	p0 =	seq.s32 s10, $0x1;
	s10 =	sld [smem:$0x3FBA];
	_ =	sdelay $0x3  }
0x34: {  	[smem:$0x3FBA] =	sst s10  }
0x35: {  	s10 =	sld [smem:$0x3FB9];
	_ =	sdelay $0x3  }
0x36: {  	p1 =	seq.s32 s10, $0x1;
	s10 =	sld [smem:$0x3FBA];
	_ =	sdelay $0x3  }
0x37: {  	[smem:$0x3FBA] =	sst s10  }
0x38: {  	s10 =	sld [smem:$0x3FBB]  }
0x39: {  	_ = 	snop;
	(pc) =	sbr.ind lr, $3  }
0x3a: {  	_ = 	snop  }
0x3b: {  	_ = 	snop  }
0x3c: {  	p2 =	seq.s32 s10, $0x1;
	s10 =	sld [smem:$0x3FBA]  }
0x3d: {  	_ =	shalt  }
0x3e: {  	_ =	shalt  }
0x3f: {  	_ =	shalt  }
0x40: {  	_ =	shalt  }
0x41: {  	_ =	shalt  }
0x42: {  	_ =	shalt  }
0x43: {  	_ =	shalt  }
0x44: {  	_ =	shalt  }
0x45: {  	_ =	shalt  }
0x46: {  	_ =	shalt  }
0x47: {  	_ =	shalt  }
0x48: {  	_ =	shalt  }
0x49: {  	_ =	shalt  }
0x4a: {  	_ =	shalt  }
0x4b: {  	_ =	shalt  }
0x4c: {  	_ =	shalt  }
0x4d: {  	_ =	shalt  }
0x4e: {  	_ =	shalt  }
0x4f: {  	_ =	shalt  }
0x50: {  	_ =	shalt  }
0x51: {  	_ =	shalt  }
0x52: {  	_ =	shalt  }
0x53: {  	_ =	shalt  }
0x54: {  	_ =	shalt  }
0x55: {  	_ =	shalt  }
0x56: {  	_ =	shalt  }
0x57: {  	_ =	shalt  }
0x58: {  	_ =	shalt  }
0x59: {  	_ =	shalt  }
0x5a: {  	_ =	shalt  }
0x5b: {  	_ =	shalt  }
0x5c: {  	_ =	shalt  }
0x5d: {  	_ =	shalt  }
0x5e: {  	_ =	shalt  }
0x5f: {  	_ =	shalt  }
0x60: {  	_ =	shalt  }
0x61: {  	_ =	shalt  }
0x62: {  	_ =	shalt  }
0x63: {  	_ =	shalt  }
0x64: {  	_ =	shalt  }
0x65: {  	_ =	shalt  }
0x66: {  	_ =	shalt  }
0x67: {  	_ =	shalt  }
0x68: {  	_ =	shalt  }
0x69: {  	_ =	shalt  }
0x6a: {  	_ =	shalt  }
0x6b: {  	_ =	shalt  }
0x6c: {  	_ =	shalt  }
0x6d: {  	_ =	shalt  }
0x6e: {  	_ =	shalt  }
0x6f: {  	_ =	shalt  }
0x70: {  	_ =	shalt  }
0x71: {  	_ =	shalt  }
0x72: {  	_ =	shalt  }
0x73: {  	_ =	shalt  }
0x74: {  	_ =	shalt  }
0x75: {  	_ =	shalt  }
0x76: {  	_ =	shalt  }
0x77: {  	_ =	shalt  }
0x78: {  	_ =	shalt  }
0x79: {  	_ =	shalt  }
0x7a: {  	_ =	shalt  }
0x7b: {  	_ =	shalt  }
0x7c: {  	_ =	shalt  }
0x7d: {  	_ =	shalt  }
0x7e: {  	_ =	shalt  }
0x7f: {  	_ =	shalt  }
0x80: {  	_ =	shalt  }
0x81: {  	_ =	shalt  }
0x82: {  	_ =	shalt  }
0x83: {  	_ =	shalt  }
0x84: {  	_ =	shalt  }
0x85: {  	_ =	shalt  }
0x86: {  	_ =	shalt  }
0x87: {  	_ =	shalt  }
.Lfunc_end0:
.L_simem_size_0:
called_computation_lowered:
.L_overlay_start_0:
0x88: {  	s2 =	sld [smem:$0x3FD9]  }
0x89: {  	s3 =	sld [smem:$0x3FFE];
	_ =	sdelay $0x1  }
0x8a: {  	s1 =	srdreg.scid  }
0x8b: {  	s0 =	sand.u32 $0x1, s1  }
0x8c: {  	s17 =	sshll.u32 s0, $0xA;
	s2 =	sadd.s32 s3, s2  }
0x8d: {  	s2 =	sadd.s32 s2, s17  }
0x8e: {  	[smem:$0x3FC6] =	sst s2  }
0x8f: {  	_ = 	snop  }
0x90: {  	s2 =	sld [smem:$0x3FC9]  }
0x91: {  	s18 =	sld [smem:$0x3FD0];
	(tm) =	ssettm $0x1  }
0x92: {  	s4 =	sld [smem:$0x3FFB];
	_ =	sdelay $0x3  }
0x93: {  	_ =	strace s4  }
0x94: {  	s4 =	sld [smem:$0x3FFC];
	_ =	sdelay $0x3  }
0x95: {  	_ =	strace s4  }
0x96: {  	s4 =	sld [smem:$0x3FFD];
	_ =	sdelay $0x3  }
0x97: {  	_ =	strace s4  }
0x98: {  	_ =	strace $0x8FFFFFFF  }
0x99: {  	s19 =	sld [smem:$0x3FDB];
	_ =	sdelay $0x1  }
0x9a: {  	s5 =	simm.s32 $_scs_section_size  }
0x9b: {  	s6 =	simm.s32 $_size__tile_overlayer_lowered;
	s7 =	simm.s32 $_tile_overlayer_lowered  }
0x9c: {  	s22 =	simm.s32 $0x1BFF;
	s21 =	sshll.u32 s7, $0x1;
	s4 =	sadd.s32 s5, s19  }
0x9d: {  	s8 =	simm.s32 $0x0;
	s20 =	sshll.u32 s6, $0x1;
	s6 =	sadd.s32 s21, s4  }
0x9e: {  	[timem:s8], [sflag:s22] =	dma.local [hbm:s6], s20  }
0x9f: {  	_ =	swait.ge [sflag:s22], s20  }
0xa0: {  	s5 =	ssub.s32 $0x0, s20;
	[sflag:s22] =	ssyncset.done $0x0  }
0xa1: {  	[sflag:s22] =	ssyncadd.s32 s5;
	_ =	sdelay $0x1  }
0xa2: {  	s23 =	simm.s32 $0x1B8B  }
0xa3: {  	_ =	swait.ge [sflag:s23], $0x1  }
0xa4: {  	[sflag:s23] =	ssyncset.done $0x0  }
0xa5: {  	s25 =	simm.s32 $0x1B8E;
	s24 =	sld [smem:$0x3FFE];
	[sflag:s23] =	ssyncadd.s32 $0xFFFFFFFF  }
0xa6: {  	s26 =	simm.s32 $execute0_lowered;
	[smem:$0x3FD2] =	sst s25  }
0xa7: {  	s6 =	sshll.u32 s26, $0x1;
	_ =	strace $0x80000046;
	[dreg:$0x1] =	wrdreg $0xFFFFFFFF  }
0xa8: {  	s28 =	simm.s32 $_size_execute0_lowered;
	s4 =	sadd.s32 s4, s6;
	[dreg:$0x0] =	wrdreg $0x0  }
0xa9: {  	s6 =	sshll.u32 s28, $0x1;
	[dreg:$0x2] =	wrdreg s4  }
0xaa: {  	[dreg:$0x3] =	wrdreg s6  }
0xab: {  	[dreg:$0x4] =	wrdreg $0xC0  }
0xac: {  	_ =	task [dreg:s8], $0x5FFFF  }
0xad: {  	[dreg:$0x1] =	wrdreg $0xFFFFFFFF  }
0xae: {  	[dreg:$0x0] =	wrdreg $0x60  }
0xaf: {  	[dreg:$0x2] =	wrdreg s2  }
0xb0: {  	[dreg:$0x3] =	wrdreg s18  }
0xb1: {  	[dreg:$0x4] =	wrdreg s24  }
0xb2: {  	[dreg:$0x5] =	wrdreg $0x9  }
0xb3: {  	_ =	task.clear_ibuf [dreg:s8], $0x6FFFF;
	_ =	strace $0x90000046  }
0xb4: {  	s29 =	simm.s32 $0x9;
	_ =	strace $0x80000048  }
0xb5: {  	_ =	swait.ge [sflag:s29], $0x1  }
0xb6: {  	[sflag:s29] =	ssyncadd.s32 $0xFFFFFFFF  }
0xb7: {  	_ =	strace $0x90000048  }
0xb8: {  	_ =	sfence  }
0xb9: {  	s30 =	sld [smem:$0x0];
	_ =	sdelay $0x2  }
0xba: {  	s31 =	sshll.u32 s1, $0xD;
	s1 =	sshrl.u32 s1, $0x2  }
0xbb: {  	s3 =	sand.u32 $0x4000, s31;
	s1 =	sadd.s32 s1, s30  }
0xbc: {  	s0 =	sor.u32 s3, s0;
	s1 =	sshll.u32 s1, $0x11  }
0xbd: {  	s0 =	sor.u32 s1, s0  }
0xbe: {  	s0 =	sadd.s32 $0x8F2B, s0  }
0xbf: {  	[sflag:s0] =	ssyncadd.remote.s32 $0x1  }
0xc0: {  	_ =	sfence.sel $0xFFFF  }
0xc1: {  	[dreg:$0x0] =	wrdreg $0xFFFFFFFF;
	(pc) =	sbr.abs _section_cstart, $3  }
0xc2: {  	[dreg:$0x1] =	wrdreg $0xFFFFFFFF  }
0xc3: {  	_ =	task.clear_ibuf [dreg:s8], $0x2FFFF;
	_ =	strace $0x9FFFFFFF  }
0xc4: {  	(tm) =	ssettm $0x7FFFFFFF  }
0xc5: {  	_ =	shalt  }
tec
execute0_lowered:
.L_overlay_start_1:
0x0: {  	(tag) =	ssettag $0x1  }
0x1: {  	s1 =	srdreg.scid;
	s0 =	stileid.u32  }
0x2: {  	s6 =	sand.u32 $0x1, s1;
	s29 =	sshll.u32 s0, $0x1  }
0x3: {  	s7 =	sor.u32 s6, s29  }
0x4: {  	s1 =	smul.u32 $0xA, s7  }
0x5: {  	v7 =	vlaneseq.u32  }
0x6: {  	v0 =	vadd.s32 s1, v7  }
0x7: {  	s2 =	rddreg [dreg:$0x0];
	v0 =	vmin.u32 v0, $0x13F  }
0x8: {  	s5 =	rddreg [dreg:$0x1];
	v1 =	vshll.u32 v0, $0x2;
	v0 =	vshll.u32 v0, $0x5  }
0x9: {  	s8 =	rddreg [dreg:$0x2];
	s3 =	simm.s32 $0x0;
	v1 =	vand.u32 $0xC, v1;
	v0 =	vand.u32 $0x3F80, v0  }
0xa: {  	s4 =	simm.s32 $0x2;
	[smem:$0x7FF] =	sst s3;
	s6 =	ssub.s32 $0x2, s6;
	v0 =	vor.u32 v1, v0  }
0xb: {  	s9 =	smul.u32 $0x300, s7;
	s1 =	rddreg [dreg:$0x3];
	_ =	strace $0x80000047;
	v1 =	vor.u32 $0x2, v0  }
0xc: {  	[tilespmem:s3], [sflag:$0x2] =	stream.linear.gather [hbm4b:s5+s3], $0x2800, $0x38;
	v2 =	vor.u32 $0x1, v0;
	[tilespmem:$0x4080] =	vst v63  }
0xd: {  	s30 =	sshrl.u32 s6, $0x1;
	_ =	swait.ge [sflag:s4], $0x2800;
	v3 =	vor.u32 $0x3, v0  }
0xe: {  	s8 =	sadd.s32 s9, s8;
	s9 =	ssub.s32 s6, s30;
	[sflag:s4] =	ssyncset.done $0x0  }
0xf: {  	s13 =	smax.u32 s9, $0x1;
	[sflag:s4] =	ssyncadd.s32 $0xFFFFD800  }
0x10: {  	p0 =	sne.s32 s13, $0x1;
	v11 =	vld.idx.msk [tilespmem:v1+s3+$0x0], $0xffff  }
.Ltmp0:
0x11: {  	v8 =	vld.idx.msk [tilespmem:v2+s3+$0x0], $0xffff;
	(pc) =	sbr.rel @!p0 .LBB2_2-.Ltmp0, $4  }
0x12: {  	v9 =	vld.idx.msk [tilespmem:v3+s3+$0x0], $0xffff  }
0x13: {  	vm0 =	vmmov $0xffff;
	s10 =	simm.s32 $0x3480;
	s12 =	simm.s32 $0x3C80;
	s11 =	simm.s32 $0x1;
	v4 =	vshrl.u32 v7, $0x3;
	v10 =	vld.idx.msk [tilespmem:v0+s3+$0x0], $0xffff  }
0x14: {  	vm1 =	vmmov $0xff;
	v6 =	vand.u32 $0x7, v7;
	v4 =	vmul.u32 $0x8, v4;
	s31 =	sshll.u32 s7, $0xA;
	s7 =	sadd.s32 $0x100, s2;
	s6 =	sadd.s32 $0x400, s8  }
0x15: {  	v5 =	vmov s31;
	v7 =	vor.u32 $0x8, v7;
	s8 =	simm.s32 $0x2880;
	s9 =	simm.s32 $0x3080;
	s13 =	sadd.s32 $0xFFFFFFFF, s13;
	v11 =	vshra.s32 v11, $0x1  }
.LBB2_1:
0x16: {  	p0 =	sne.s32 s13, $0x1;
	s13 =	sadd.s32 $0xFFFFFFFF, s13;
	v8 =	vshll.u32 v8, $0x1  }
0x17: {  	v8 =	vadd.s32 v8, v9  }
0x18: {  	v9 =	vadd.s32 v10, v11;
	v8 =	vand.u32 $0xFFFFFFE0, v8  }
0x19: {  	v9 =	vshra.s32 v9, $0x4;
	v8 =	vadd.s32 v5, v8  }
0x1a: {  	v8 =	vadd.s32 v9, v8  }
0x1b: {  	[tilespmem:$0x2800] =	vst v8;
	v8 =	vshrl.u32 v8, $0x3  }
0x1c: {  	v8 =	vmul.u32 $0x18, v8  }
0x1d: {  	v9 =	vand.u32 $0x7, v9  }
0x1e: {  	v8 =	vor.u32 v9, v8  }
0x1f: {  	v9 =	vperm.xlane v8, v6;
	v8 =	vperm.xlane v8, v7;
	_ =	sdelay $0x1  }
0x20: {  	v9 =	vadd.s32 v4, v9;
	_ =	sdelay $0x3  }
0x21: {  	v8 =	vadd.s32 v4, v8  }
0x22: {  	[tilespmem:s8], [sflag:$0x1] =	stream.indirect_vreg.gather [hbm4b:s2+s3], $0x80, v9, vm0, $0xb8;
	[tilespmem:$0x4080] =	vst v63  }
0x23: {  	_ = 	snop  }
0x24: {  	[tilespmem:s9], [sflag:$0x1] =	stream.indirect_vreg.gather [hbm4b:s7+s3], $0x80, v9, vm1, $0xb8;
	[tilespmem:$0x4080] =	vst v63  }
0x25: {  	_ = 	snop  }
0x26: {  	[tilespmem:s10], [sflag:$0x1] =	stream.indirect_vreg.gather [hbm4b:s2+s3], $0x80, v8, vm0, $0xb8;
	[tilespmem:$0x4080] =	vst v63  }
0x27: {  	_ = 	snop  }
0x28: {  	[tilespmem:s12], [sflag:$0x1] =	stream.indirect_vreg.gather [hbm4b:s7+s3], $0x80, v8, vm1, $0xb8;
	[tilespmem:$0x4080] =	vst v63  }
0x29: {  	_ =	swait.ge [sflag:s11], $0x1800  }
0x2a: {  	[sflag:s11] =	ssyncset.done $0x0  }
0x2b: {  	[sflag:s11] =	ssyncadd.s32 $0xFFFFE800  }
0x2c: {  	[hbm4b:s6+s3] =	stream.linear.scatter [tilespmem:s8], [sflag:$0x2], $0x1800, $0x38;
	[tilespmem:$0x4080] =	vst v63  }
0x2d: {  	_ =	swait.ge [sflag:s4], $0x1800  }
0x2e: {  	[sflag:s4] =	ssyncset.done $0x0  }
0x2f: {  	[sflag:s4] =	ssyncadd.s32 $0xFFFFE800  }
0x30: {  	[tilespmem:s3], [sflag:$0x2] =	stream.linear.gather [hbm4b:s5+s3], $0x2800, $0x38;
	[tilespmem:$0x4080] =	vst v63  }
0x31: {  	_ =	swait.ge [sflag:s4], $0x2800  }
0x32: {  	[sflag:s4] =	ssyncset.done $0x0  }
0x33: {  	[sflag:s4] =	ssyncadd.s32 $0xFFFFD800  }
0x34: {  	v11 =	vld.idx.msk [tilespmem:v1+s3+$0x0], $0xffff  }
0x35: {  	v8 =	vld.idx.msk [tilespmem:v2+s3+$0x0], $0xffff  }
.Ltmp1:
0x36: {  	v9 =	vld.idx.msk [tilespmem:v3+s3+$0x0], $0xffff;
	(pc) =	sbr.rel @p0 .LBB2_1-.Ltmp1, $2  }
0x37: {  	v10 =	vld.idx.msk [tilespmem:v0+s3+$0x0], $0xffff;
	_ =	sdelay $0x2  }
0x38: {  	v11 =	vshra.s32 v11, $0x1  }
.LBB2_2:
0x39: {  	v0 =	vshll.u32 v8, $0x1  }
0x3a: {  	v0 =	vadd.s32 v0, v9  }
0x3b: {  	v1 =	vadd.s32 v10, v11;
	v0 =	vand.u32 $0xFFFFFFE0, v0  }
0x3c: {  	v1 =	vshra.s32 v1, $0x4;
	v0 =	vadd.s32 v5, v0  }
0x3d: {  	v0 =	vadd.s32 v1, v0  }
0x3e: {  	v2 =	vshrl.u32 v0, $0x3  }
0x3f: {  	v2 =	vmul.u32 $0x18, v2  }
0x40: {  	v1 =	vand.u32 $0x7, v1  }
0x41: {  	v1 =	vor.u32 v1, v2  }
0x42: {  	v2 =	vperm.xlane v1, v6;
	_ =	sdelay $0x1  }
0x43: {  	v2 =	vadd.s32 v4, v2;
	_ =	sdelay $0x1  }
0x44: {  	v1 =	vperm.xlane v1, v7;
	_ =	sdelay $0x1  }
0x45: {  	[tilespmem:$0x2800] =	vst v0;
	v63 =	vadd.s32 v4, v1  }
0x46: {  	[tilespmem:s8], [sflag:$0x1] =	stream.indirect_vreg.gather [hbm4b:s2+s3], $0x80, v2, vm0, $0xb8;
	[tilespmem:$0x4080] =	vst v63  }
0x47: {  	_ = 	snop  }
0x48: {  	[tilespmem:s9], [sflag:$0x1] =	stream.indirect_vreg.gather [hbm4b:s7+s3], $0x80, v2, vm1, $0xb8;
	[tilespmem:$0x4080] =	vst v63  }
0x49: {  	_ = 	snop  }
0x4a: {  	[tilespmem:s10], [sflag:$0x1] =	stream.indirect_vreg.gather [hbm4b:s2+s3], $0x80, v63, vm0, $0xb8;
	[tilespmem:$0x4080] =	vst v63  }
0x4b: {  	_ = 	snop  }
0x4c: {  	[tilespmem:s12], [sflag:$0x1] =	stream.indirect_vreg.gather [hbm4b:s7+s3], $0x80, v63, vm1, $0xb8;
	[tilespmem:$0x4080] =	vst v63  }
0x4d: {  	_ =	swait.ge [sflag:s11], $0x1800  }
0x4e: {  	[sflag:s11] =	ssyncset.done $0x0  }
0x4f: {  	[sflag:s11] =	ssyncadd.s32 $0xFFFFE800  }
0x50: {  	[hbm4b:s6+s3] =	stream.linear.scatter [tilespmem:s8], [sflag:$0x2], $0x1800, $0x38;
	[tilespmem:$0x4080] =	vst v63  }
0x51: {  	_ =	swait.ge [sflag:s4], $0x1800  }
0x52: {  	[sflag:s4] =	ssyncset.done $0x0  }
0x53: {  	[sflag:s4] =	ssyncadd.s32 $0xFFFFE800  }
0x54: {  	_ =	sfence.sel $0x180000  }
0x55: {  	[bflag:$0x0] =	sbarrier.arrive $0xFFFF  }
0x56: {  	p0 =	sne.s32 s0, $0x0;
	_ =	strace $0x90000047  }
0x57: {  	s0 =	sadd.s32 @!p0 $0x100000, s1;
	[bflag:$0x2] =	sbarrier.arrive $0xFFFF  }
0x58: {  	[sflag:s0] =	ssyncadd.tile.s32 @!p0 $0x1;
	_ =	shalt  }
.Lfunc_end2:
_tile_overlayer_lowered:
.L_overlay_start_2:
0x59: {  	(tag) =	ssettag $0x2  }
0x5a: {  	s0 =	rddreg [dreg:$0x0];
	s2 =	stileid.u32  }
0x5b: {  	s1 =	rddreg [dreg:$0x1];
	p0 =	sne.s32 s2, $0x0  }
0x5c: {  	s3 =	rddreg [dreg:$0x2];
	[bflag:$0x3] =	sbarrier.arrive $0xFFFF;
	s2 =	simm.s32 @!p0 $0x1C02  }
0x5d: {  	[timem:s3], [sflag:s2] =	dma.local @!p0 [hbm:s0], s1  }
0x5e: {  	s0 =	simm.s32 @!p0 $0x2  }
0x5f: {  	_ =	swait.ge @!p0 [sflag:s0], s1  }
0x60: {  	s1 =	ssub.s32 @!p0 $0x0, s1;
	[sflag:s0] =	ssyncset.done @!p0 $0x0  }
0x61: {  	[sflag:s0] =	ssyncadd.s32 @!p0 s1  }
0x62: {  	[bflag:$0x3] =	sbarrier.arrive $0xFFFF  }
0x63: {  	_ =	shalt  }

</sc_bundles>
